<compile_context>
chip_gen: v7x
topology: tpu7x:2x2x1
jax: 0.10.2.dev20260603
libtpu: 0.0.44.dev20260713+nightly
codegen_flags: <defaults>
</compile_context>

<pallas_src>
import functools

import jax
import jax.numpy as jnp
from jax import lax
from jax.experimental import pallas as pl
from jax.experimental.pallas import tpu as pltpu
from jax.experimental.pallas import tpu_sc as plsc

BATCH = 4096
EMB_DIM = 64
IMG_FLAT = 3 * 64 * 64
OUT_DIM = IMG_FLAT + EMB_DIM

_NC = 2
_NS = 16
_NW = _NC * _NS
_B_PER_W = BATCH // _NW


def _sc_gather(idx, table):
    mesh = plsc.VectorSubcoreMesh(core_axis_name="c", subcore_axis_name="s")

    @functools.partial(
        pl.kernel,
        mesh=mesh,
        out_type=jax.ShapeDtypeStruct((BATCH, EMB_DIM), jnp.float32),
        scratch_types=[
            pltpu.VMEM((_B_PER_W,), jnp.int32),
            pltpu.VMEM((_B_PER_W, EMB_DIM), jnp.float32),
            pltpu.SemaphoreType.DMA,
        ],
        compiler_params=pltpu.CompilerParams(use_tc_tiling_on_sc=False),
    )
    def gather_kernel(idx_hbm, table_hbm, out_hbm, idx_v, rows_v, sem):
        wid = lax.axis_index("s") * _NC + lax.axis_index("c")
        base = wid * _B_PER_W
        pltpu.sync_copy(idx_hbm.at[pl.ds(base, _B_PER_W)], idx_v)
        pltpu.async_copy(table_hbm.at[idx_v], rows_v, sem).wait()
        pltpu.sync_copy(rows_v, out_hbm.at[pl.ds(base, _B_PER_W)])

    return gather_kernel(idx, table)


_CHF = 512
_NCHF = IMG_FLAT // _CHF
_NBUF = 7
_LOOK = 3


def _img_copy_body(imgT_hbm, outT_hbm, buf, in_sems, out_sems):
    def in_cp(g):
        slot = lax.rem(g, _NBUF)
        return pltpu.make_async_copy(
            imgT_hbm.at[pl.ds(g * _CHF, _CHF), :],
            buf.at[slot],
            in_sems.at[slot])

    def out_cp(g):
        slot = lax.rem(g, _NBUF)
        return pltpu.make_async_copy(
            buf.at[slot],
            outT_hbm.at[pl.ds(g * _CHF, _CHF), :],
            out_sems.at[slot])

    for g in range(_LOOK):
        in_cp(g).start()

    def step(g, carry):
        @pl.when(g + _LOOK < _NCHF)
        def _prefetch():
            in_cp(g + _LOOK).start()

        in_cp(g).wait()

        @pl.when(g >= _NBUF - _LOOK)
        def _wait_prev_write():
            out_cp(g - (_NBUF - _LOOK)).wait()

        out_cp(g).start()
        return carry

    lax.fori_loop(0, _NCHF, step, 0)

    def drain(g, carry):
        out_cp(g).wait()
        return carry

    lax.fori_loop(_NCHF - (_NBUF - _LOOK), _NCHF, drain, 0)


def _img_copy(imgT):
    return pl.pallas_call(
        _img_copy_body,
        in_specs=[pl.BlockSpec(memory_space=pl.ANY)],
        out_specs=pl.BlockSpec(memory_space=pl.ANY),
        out_shape=jax.ShapeDtypeStruct((OUT_DIM, BATCH), jnp.float32),
        scratch_shapes=[
            pltpu.VMEM((_NBUF, _CHF, BATCH), jnp.float32),
            pltpu.SemaphoreType.DMA((_NBUF,)),
            pltpu.SemaphoreType.DMA((_NBUF,)),
        ],
        compiler_params=pltpu.CompilerParams(
            vmem_limit_bytes=64 * 1024 * 1024,
        ),
    )(imgT)


def _tail_body(outT_in, membT_hbm, outT_hbm, membbuf, sem):
    del outT_in
    cp = pltpu.make_async_copy(membT_hbm, membbuf, sem)
    cp.start()
    cp.wait()
    cp2 = pltpu.make_async_copy(
        membbuf, outT_hbm.at[pl.ds(IMG_FLAT, EMB_DIM), :], sem)
    cp2.start()
    cp2.wait()


def _tail_write(outT, membT):
    return pl.pallas_call(
        _tail_body,
        in_specs=[
            pl.BlockSpec(memory_space=pl.ANY),
            pl.BlockSpec(memory_space=pl.ANY),
        ],
        out_specs=pl.BlockSpec(memory_space=pl.ANY),
        out_shape=jax.ShapeDtypeStruct((OUT_DIM, BATCH), jnp.float32),
        input_output_aliases={0: 0},
        scratch_shapes=[
            pltpu.VMEM((EMB_DIM, BATCH), jnp.float32),
            pltpu.SemaphoreType.DMA,
        ],
    )(outT, membT)


def kernel(image, mission, emb):
    imgT = image.astype(jnp.float32).transpose(1, 2, 3, 0).reshape(IMG_FLAT, BATCH)
    outT = _img_copy(imgT)
    idx = mission.astype(jnp.int32)
    memb = _sc_gather(idx, emb)
    outT = _tail_write(outT, memb.T)
    return outT.T

# --- scband reference (transcript-rebuilt; emitter-appended) ---
"""Pipeline reference for scband-concat-image-with-mission-embedding-41429254537669 (READ-ONLY COPY).

The authoritative reference and input builder live on the scoring server;
editing this copy changes nothing except your own understanding.
"""

import jax, jax.numpy as jnp
import numpy as np

VOCAB = 100000
EMB_DIM = 64
BATCH = 4096

def setup_inputs(seed: int = 0) -> dict:
    key = jax.random.key(seed)
    k1, k2, k3 = jax.random.split(key, 3)
    image = jax.random.normal(k1, (BATCH, 3, 64, 64), dtype=jnp.float32)
    mission = jax.random.randint(k2, (BATCH,), 0, VOCAB, dtype=jnp.int64)
    emb = jax.random.normal(k3, (VOCAB, EMB_DIM), dtype=jnp.float32) * 0.02
    return {"image": image, "mission": mission, "emb": emb}

def reference(image, mission, emb):
    # _prep_img: cast to float32, flatten(1). normalize_uint8_image=False so no /255.
    img = image.astype(jnp.float32).reshape(image.shape[0], -1)
    # _to_index: mission is 1-D int -> .long() path (no argmax)
    if mission.ndim >= 2 and mission.shape[-1] > 1:
        midx = jnp.argmax(mission, axis=-1)
    else:
        midx = mission.astype(jnp.int64)
    # embedding lookup (gather)
    memb = jnp.take(emb, midx, axis=0)
    return jnp.concatenate([img, memb], axis=-1)

if __name__ == "__main__":
    import jax
    _d = setup_inputs()
    print(jax.jit(kernel)(*tuple(_d.values())))

</pallas_src>

<mosaic_0001>
#map = affine_map<(d0, d1) -> (0)>
#map1 = affine_map<(d0, d1) -> (0, 0)>
module attributes {stable_mosaic.version = 14 : i64} {
  func.func @gather_kernel(%arg0: i32, %arg1: i32, %arg2: memref<4096xi32, #tpu.memory_space<hbm>>, %arg3: memref<100000x64xf32, #tpu.memory_space<hbm>>, %arg4: memref<4096x64xf32, #tpu.memory_space<hbm>>, %arg5: memref<128xi32, #tpu.memory_space<vmem>>, %arg6: memref<128x64xf32, #tpu.memory_space<vmem>>, %arg7: memref<!tpu.dma_semaphore, #tpu.memory_space<semaphore_mem>>) attributes {dimension_semantics = [#tpu.dimension_semantics<core_parallel>, #tpu.dimension_semantics<subcore_parallel>], iteration_bounds = array<i64: 2, 16>, scalar_prefetch = 0 : i64, scratch_operands = 3 : i64, tpu.core_type = #tpu.core_type<sc_vector_subcore>, window_params = [{transform_indices = #map}, {transform_indices = #map1}, {transform_indices = #map1}]} {
    %mul3A = arith.constant 2 : i32
    %mul3A_0 = arith.muli %arg1, %mul3A : i32
    %add3A = arith.addi %mul3A_0, %arg0 : i32
    %mul3A_1 = arith.constant 128 : i32
    %mul3A_2 = arith.muli %add3A, %mul3A_1 : i32
    "tpu.region"() ({
      %run_scoped3A = tpu.sem_alloc : memref<!tpu.dma_semaphore, #tpu.memory_space<semaphore_mem>>
      %dma_start3A_7 = tpu.memref_slice %arg2[%mul3A_2] : memref<4096xi32, #tpu.memory_space<hbm>> -> memref<128xi32, #tpu.memory_space<hbm>>
      %dma_start3A_8 = tpu.memref_slice %arg2[%mul3A_2] : memref<4096xi32, #tpu.memory_space<hbm>> -> memref<128xi32, #tpu.memory_space<hbm>>
      tpu.enqueue_dma source(%dma_start3A_8 : memref<128xi32, #tpu.memory_space<hbm>>) target(%arg5 : memref<128xi32, #tpu.memory_space<vmem>>) target_semaphore(%run_scoped3A : memref<!tpu.dma_semaphore, #tpu.memory_space<semaphore_mem>>)
      %dma_wait3A_9 = tpu.memref_slice %arg2[%mul3A_2] : memref<4096xi32, #tpu.memory_space<hbm>> -> memref<128xi32, #tpu.memory_space<hbm>>
      %dma_wait3A_10 = tpu.memref_slice %arg2[%mul3A_2] : memref<4096xi32, #tpu.memory_space<hbm>> -> memref<128xi32, #tpu.memory_space<hbm>>
      tpu.wait_dma2 semaphore(%run_scoped3A : memref<!tpu.dma_semaphore, #tpu.memory_space<semaphore_mem>>) src(%dma_wait3A_10 : memref<128xi32, #tpu.memory_space<hbm>>) dst(%arg5 : memref<128xi32, #tpu.memory_space<vmem>>)
      tpu.yield
    }) : () -> ()
    %dma_start3A = arith.constant 0 : i32
    %dma_start3A_3 = arith.constant 0 : i32
    %dma_start3A_4 = tpu.memref_slice %arg3[%dma_start3A, %dma_start3A_3] : memref<100000x64xf32, #tpu.memory_space<hbm>> -> memref<100000x64xf32, #tpu.memory_space<hbm>>
    tpu.enqueue_indirect_dma source(%dma_start3A_4 : memref<100000x64xf32, #tpu.memory_space<hbm>>) target(%arg6 : memref<128x64xf32, #tpu.memory_space<vmem>>) offsets(%arg5 : memref<128xi32, #tpu.memory_space<vmem>>) semaphore(%arg7 : memref<!tpu.dma_semaphore, #tpu.memory_space<semaphore_mem>>)
    %dma_wait3A = arith.constant 0 : i32
    %dma_wait3A_5 = arith.constant 0 : i32
    %dma_wait3A_6 = tpu.memref_slice %arg3[%dma_wait3A, %dma_wait3A_5] : memref<100000x64xf32, #tpu.memory_space<hbm>> -> memref<100000x64xf32, #tpu.memory_space<hbm>>
    tpu.wait_indirect_dma semaphore(%arg7 : memref<!tpu.dma_semaphore, #tpu.memory_space<semaphore_mem>>) src(%dma_wait3A_6 : memref<100000x64xf32, #tpu.memory_space<hbm>>) dst(%arg6 : memref<128x64xf32, #tpu.memory_space<vmem>>)
    "tpu.region"() ({
      %run_scoped3A = tpu.sem_alloc : memref<!tpu.dma_semaphore, #tpu.memory_space<semaphore_mem>>
      %dma_start3A_7 = arith.constant 0 : i32
      %dma_start3A_8 = tpu.memref_slice %arg4[%mul3A_2, %dma_start3A_7] : memref<4096x64xf32, #tpu.memory_space<hbm>> -> memref<128x64xf32, #tpu.memory_space<hbm>>
      %dma_start3A_9 = arith.constant 0 : i32
      %dma_start3A_10 = tpu.memref_slice %arg4[%mul3A_2, %dma_start3A_9] : memref<4096x64xf32, #tpu.memory_space<hbm>> -> memref<128x64xf32, #tpu.memory_space<hbm>>
      tpu.enqueue_dma source(%arg6 : memref<128x64xf32, #tpu.memory_space<vmem>>) target(%dma_start3A_10 : memref<128x64xf32, #tpu.memory_space<hbm>>) target_semaphore(%run_scoped3A : memref<!tpu.dma_semaphore, #tpu.memory_space<semaphore_mem>>)
      %dma_wait3A_11 = arith.constant 0 : i32
      %dma_wait3A_12 = tpu.memref_slice %arg4[%mul3A_2, %dma_wait3A_11] : memref<4096x64xf32, #tpu.memory_space<hbm>> -> memref<128x64xf32, #tpu.memory_space<hbm>>
      %dma_wait3A_13 = arith.constant 0 : i32
      %dma_wait3A_14 = tpu.memref_slice %arg4[%mul3A_2, %dma_wait3A_13] : memref<4096x64xf32, #tpu.memory_space<hbm>> -> memref<128x64xf32, #tpu.memory_space<hbm>>
      tpu.wait_dma2 semaphore(%run_scoped3A : memref<!tpu.dma_semaphore, #tpu.memory_space<semaphore_mem>>) src(%arg6 : memref<128x64xf32, #tpu.memory_space<vmem>>) dst(%dma_wait3A_14 : memref<128x64xf32, #tpu.memory_space<hbm>>)
      tpu.yield
    }) : () -> ()
    return
  }
}

module attributes {stable_mosaic.version = 14 : i64} {
  func.func @_img_copy_body(%arg0: memref<12288x4096xf32, #tpu.memory_space<any>>, %arg1: memref<12352x4096xf32, #tpu.memory_space<any>>, %arg2: memref<7x512x4096xf32, #tpu.memory_space<vmem>>, %arg3: memref<7x!tpu.dma_semaphore, #tpu.memory_space<semaphore_mem>>, %arg4: memref<7x!tpu.dma_semaphore, #tpu.memory_space<semaphore_mem>>) attributes {dimension_semantics = [], scalar_prefetch = 0 : i64, scratch_operands = 3 : i64, tpu.core_type = #tpu.core_type<tc>} {
    %rem3A = arith.constant 0 : i32
    %rem3A_0 = arith.constant 7 : i32
    %rem3A_1 = arith.remsi %rem3A, %rem3A_0 : i32
    %dma_start3A = tpu.memref_slice %arg3[%rem3A_1] : memref<7x!tpu.dma_semaphore, #tpu.memory_space<semaphore_mem>> -> memref<1x!tpu.dma_semaphore, #tpu.memory_space<semaphore_mem>>
    %dma_start3A_2 = tpu.memref_squeeze %dma_start3A : memref<1x!tpu.dma_semaphore, #tpu.memory_space<semaphore_mem>> -> memref<!tpu.dma_semaphore, #tpu.memory_space<semaphore_mem>>
    %dma_start3A_3 = arith.constant 0 : i32
    %dma_start3A_4 = arith.constant 0 : i32
    %dma_start3A_5 = tpu.memref_slice %arg2[%rem3A_1, %dma_start3A_3, %dma_start3A_4] : memref<7x512x4096xf32, #tpu.memory_space<vmem>> -> memref<1x512x4096xf32, #tpu.memory_space<vmem>>
    %dma_start3A_6 = tpu.memref_squeeze %dma_start3A_5 : memref<1x512x4096xf32, #tpu.memory_space<vmem>> -> memref<512x4096xf32, #tpu.memory_space<vmem>>
    %dma_start3A_7 = arith.constant 0 : i32
    %dma_start3A_8 = arith.constant 0 : i32
    %dma_start3A_9 = tpu.memref_slice %arg0[%dma_start3A_7, %dma_start3A_8] : memref<12288x4096xf32, #tpu.memory_space<any>> -> memref<512x4096xf32, #tpu.memory_space<any>>
    tpu.enqueue_dma source(%dma_start3A_9 : memref<512x4096xf32, #tpu.memory_space<any>>) target(%dma_start3A_6 : memref<512x4096xf32, #tpu.memory_space<vmem>>) target_semaphore(%dma_start3A_2 : memref<!tpu.dma_semaphore, #tpu.memory_space<semaphore_mem>>)
    %rem3A_10 = arith.constant 1 : i32
    %rem3A_11 = arith.constant 7 : i32
    %rem3A_12 = arith.remsi %rem3A_10, %rem3A_11 : i32
    %dma_start3A_13 = tpu.memref_slice %arg3[%rem3A_12] : memref<7x!tpu.dma_semaphore, #tpu.memory_space<semaphore_mem>> -> memref<1x!tpu.dma_semaphore, #tpu.memory_space<semaphore_mem>>
    %dma_start3A_14 = tpu.memref_squeeze %dma_start3A_13 : memref<1x!tpu.dma_semaphore, #tpu.memory_space<semaphore_mem>> -> memref<!tpu.dma_semaphore, #tpu.memory_space<semaphore_mem>>
    %dma_start3A_15 = arith.constant 0 : i32
    %dma_start3A_16 = arith.constant 0 : i32
    %dma_start3A_17 = tpu.memref_slice %arg2[%rem3A_12, %dma_start3A_15, %dma_start3A_16] : memref<7x512x4096xf32, #tpu.memory_space<vmem>> -> memref<1x512x4096xf32, #tpu.memory_space<vmem>>
    %dma_start3A_18 = tpu.memref_squeeze %dma_start3A_17 : memref<1x512x4096xf32, #tpu.memory_space<vmem>> -> memref<512x4096xf32, #tpu.memory_space<vmem>>
    %dma_start3A_19 = arith.constant 512 : i32
    %dma_start3A_20 = arith.constant 0 : i32
    %dma_start3A_21 = tpu.memref_slice %arg0[%dma_start3A_19, %dma_start3A_20] : memref<12288x4096xf32, #tpu.memory_space<any>> -> memref<512x4096xf32, #tpu.memory_space<any>>
    tpu.enqueue_dma source(%dma_start3A_21 : memref<512x4096xf32, #tpu.memory_space<any>>) target(%dma_start3A_18 : memref<512x4096xf32, #tpu.memory_space<vmem>>) target_semaphore(%dma_start3A_14 : memref<!tpu.dma_semaphore, #tpu.memory_space<semaphore_mem>>)
    %rem3A_22 = arith.constant 2 : i32
    %rem3A_23 = arith.constant 7 : i32
    %rem3A_24 = arith.remsi %rem3A_22, %rem3A_23 : i32
    %dma_start3A_25 = tpu.memref_slice %arg3[%rem3A_24] : memref<7x!tpu.dma_semaphore, #tpu.memory_space<semaphore_mem>> -> memref<1x!tpu.dma_semaphore, #tpu.memory_space<semaphore_mem>>
    %dma_start3A_26 = tpu.memref_squeeze %dma_start3A_25 : memref<1x!tpu.dma_semaphore, #tpu.memory_space<semaphore_mem>> -> memref<!tpu.dma_semaphore, #tpu.memory_space<semaphore_mem>>
    %dma_start3A_27 = arith.constant 0 : i32
    %dma_start3A_28 = arith.constant 0 : i32
    %dma_start3A_29 = tpu.memref_slice %arg2[%rem3A_24, %dma_start3A_27, %dma_start3A_28] : memref<7x512x4096xf32, #tpu.memory_space<vmem>> -> memref<1x512x4096xf32, #tpu.memory_space<vmem>>
    %dma_start3A_30 = tpu.memref_squeeze %dma_start3A_29 : memref<1x512x4096xf32, #tpu.memory_space<vmem>> -> memref<512x4096xf32, #tpu.memory_space<vmem>>
    %dma_start3A_31 = arith.constant 1024 : i32
    %dma_start3A_32 = arith.constant 0 : i32
    %dma_start3A_33 = tpu.memref_slice %arg0[%dma_start3A_31, %dma_start3A_32] : memref<12288x4096xf32, #tpu.memory_space<any>> -> memref<512x4096xf32, #tpu.memory_space<any>>
    tpu.enqueue_dma source(%dma_start3A_33 : memref<512x4096xf32, #tpu.memory_space<any>>) target(%dma_start3A_30 : memref<512x4096xf32, #tpu.memory_space<vmem>>) target_semaphore(%dma_start3A_26 : memref<!tpu.dma_semaphore, #tpu.memory_space<semaphore_mem>>)
    %scan3A = arith.constant 0 : i32
    %scan3A_34 = arith.constant 24 : i32
    %scan3A_35 = arith.addi %scan3A, %scan3A_34 : i32
    %scan3A_36 = arith.constant 1 : i32
    scf.for %scan3A_43 = %scan3A to %scan3A_35 step %scan3A_36  : i32 {
      %add3A = arith.constant 3 : i32
      %add3A_44 = arith.addi %scan3A_43, %add3A : i32
      %lt3A = arith.constant 24 : i32
      %lt3A_45 = arith.cmpi slt, %add3A_44, %lt3A : i32
      %convert_element_type3A = arith.extui %lt3A_45 : i1 to i32
      %cond3A = arith.constant 0 : i32
      %cond3A_46 = arith.cmpi ne, %convert_element_type3A, %cond3A : i32
      scf.if %cond3A_46 {
        %add3A_73 = arith.constant 3 : i32
        %add3A_74 = arith.addi %scan3A_43, %add3A_73 : i32
        %rem3A_75 = arith.constant 7 : i32
        %rem3A_76 = arith.remsi %add3A_74, %rem3A_75 : i32
        %mul3A_77 = arith.constant 512 : i32
        %mul3A_78 = arith.muli %add3A_74, %mul3A_77 : i32
        %dma_start3A_79 = tpu.memref_slice %arg3[%rem3A_76] : memref<7x!tpu.dma_semaphore, #tpu.memory_space<semaphore_mem>> -> memref<1x!tpu.dma_semaphore, #tpu.memory_space<semaphore_mem>>
        %dma_start3A_80 = tpu.memref_squeeze %dma_start3A_79 : memref<1x!tpu.dma_semaphore, #tpu.memory_space<semaphore_mem>> -> memref<!tpu.dma_semaphore, #tpu.memory_space<semaphore_mem>>
        %dma_start3A_81 = arith.constant 0 : i32
        %dma_start3A_82 = arith.constant 0 : i32
        %dma_start3A_83 = tpu.memref_slice %arg2[%rem3A_76, %dma_start3A_81, %dma_start3A_82] : memref<7x512x4096xf32, #tpu.memory_space<vmem>> -> memref<1x512x4096xf32, #tpu.memory_space<vmem>>
        %dma_start3A_84 = tpu.memref_squeeze %dma_start3A_83 : memref<1x512x4096xf32, #tpu.memory_space<vmem>> -> memref<512x4096xf32, #tpu.memory_space<vmem>>
        %dma_start3A_85 = arith.constant 0 : i32
        %dma_start3A_86 = tpu.memref_slice %arg0[%mul3A_78, %dma_start3A_85] : memref<12288x4096xf32, #tpu.memory_space<any>> -> memref<512x4096xf32, #tpu.memory_space<any>>
        tpu.enqueue_dma source(%dma_start3A_86 : memref<512x4096xf32, #tpu.memory_space<any>>) target(%dma_start3A_84 : memref<512x4096xf32, #tpu.memory_space<vmem>>) target_semaphore(%dma_start3A_80 : memref<!tpu.dma_semaphore, #tpu.memory_space<semaphore_mem>>)
      } else {
      }
      %rem3A_47 = arith.constant 7 : i32
      %rem3A_48 = arith.remsi %scan3A_43, %rem3A_47 : i32
      %mul3A = arith.constant 512 : i32
      %mul3A_49 = arith.muli %scan3A_43, %mul3A : i32
      %dma_wait3A = tpu.memref_slice %arg3[%rem3A_48] : memref<7x!tpu.dma_semaphore, #tpu.memory_space<semaphore_mem>> -> memref<1x!tpu.dma_semaphore, #tpu.memory_space<semaphore_mem>>
      %dma_wait3A_50 = tpu.memref_squeeze %dma_wait3A : memref<1x!tpu.dma_semaphore, #tpu.memory_space<semaphore_mem>> -> memref<!tpu.dma_semaphore, #tpu.memory_space<semaphore_mem>>
      %dma_wait3A_51 = arith.constant 0 : i32
      %dma_wait3A_52 = arith.constant 0 : i32
      %dma_wait3A_53 = tpu.memref_slice %arg2[%rem3A_48, %dma_wait3A_51, %dma_wait3A_52] : memref<7x512x4096xf32, #tpu.memory_space<vmem>> -> memref<1x512x4096xf32, #tpu.memory_space<vmem>>
      %dma_wait3A_54 = tpu.memref_squeeze %dma_wait3A_53 : memref<1x512x4096xf32, #tpu.memory_space<vmem>> -> memref<512x4096xf32, #tpu.memory_space<vmem>>
      %dma_wait3A_55 = arith.constant 0 : i32
      %dma_wait3A_56 = tpu.memref_slice %arg0[%mul3A_49, %dma_wait3A_55] : memref<12288x4096xf32, #tpu.memory_space<any>> -> memref<512x4096xf32, #tpu.memory_space<any>>
      tpu.wait_dma2 semaphore(%dma_wait3A_50 : memref<!tpu.dma_semaphore, #tpu.memory_space<semaphore_mem>>) src(%dma_wait3A_56 : memref<512x4096xf32, #tpu.memory_space<any>>) dst(%dma_wait3A_54 : memref<512x4096xf32, #tpu.memory_space<vmem>>)
      %ge3A = arith.constant 4 : i32
      %ge3A_57 = arith.cmpi sge, %scan3A_43, %ge3A : i32
      %convert_element_type3A_58 = arith.extui %ge3A_57 : i1 to i32
      %cond3A_59 = arith.constant 0 : i32
      %cond3A_60 = arith.cmpi ne, %convert_element_type3A_58, %cond3A_59 : i32
      scf.if %cond3A_60 {
        %sub3A = arith.constant 4 : i32
        %sub3A_73 = arith.subi %scan3A_43, %sub3A : i32
        %rem3A_74 = arith.constant 7 : i32
        %rem3A_75 = arith.remsi %sub3A_73, %rem3A_74 : i32
        %mul3A_76 = arith.constant 512 : i32
        %mul3A_77 = arith.muli %sub3A_73, %mul3A_76 : i32
        %dma_wait3A_78 = tpu.memref_slice %arg4[%rem3A_75] : memref<7x!tpu.dma_semaphore, #tpu.memory_space<semaphore_mem>> -> memref<1x!tpu.dma_semaphore, #tpu.memory_space<semaphore_mem>>
        %dma_wait3A_79 = tpu.memref_squeeze %dma_wait3A_78 : memref<1x!tpu.dma_semaphore, #tpu.memory_space<semaphore_mem>> -> memref<!tpu.dma_semaphore, #tpu.memory_space<semaphore_mem>>
        %dma_wait3A_80 = arith.constant 0 : i32
        %dma_wait3A_81 = tpu.memref_slice %arg1[%mul3A_77, %dma_wait3A_80] : memref<12352x4096xf32, #tpu.memory_space<any>> -> memref<512x4096xf32, #tpu.memory_space<any>>
        %dma_wait3A_82 = arith.constant 0 : i32
        %dma_wait3A_83 = arith.constant 0 : i32
        %dma_wait3A_84 = tpu.memref_slice %arg2[%rem3A_75, %dma_wait3A_82, %dma_wait3A_83] : memref<7x512x4096xf32, #tpu.memory_space<vmem>> -> memref<1x512x4096xf32, #tpu.memory_space<vmem>>
        %dma_wait3A_85 = tpu.memref_squeeze %dma_wait3A_84 : memref<1x512x4096xf32, #tpu.memory_space<vmem>> -> memref<512x4096xf32, #tpu.memory_space<vmem>>
        tpu.wait_dma2 semaphore(%dma_wait3A_79 : memref<!tpu.dma_semaphore, #tpu.memory_space<semaphore_mem>>) src(%dma_wait3A_85 : memref<512x4096xf32, #tpu.memory_space<vmem>>) dst(%dma_wait3A_81 : memref<512x4096xf32, #tpu.memory_space<any>>)
      } else {
      }
      %rem3A_61 = arith.constant 7 : i32
      %rem3A_62 = arith.remsi %scan3A_43, %rem3A_61 : i32
      %mul3A_63 = arith.constant 512 : i32
      %mul3A_64 = arith.muli %scan3A_43, %mul3A_63 : i32
      %dma_start3A_65 = tpu.memref_slice %arg4[%rem3A_62] : memref<7x!tpu.dma_semaphore, #tpu.memory_space<semaphore_mem>> -> memref<1x!tpu.dma_semaphore, #tpu.memory_space<semaphore_mem>>
      %dma_start3A_66 = tpu.memref_squeeze %dma_start3A_65 : memref<1x!tpu.dma_semaphore, #tpu.memory_space<semaphore_mem>> -> memref<!tpu.dma_semaphore, #tpu.memory_space<semaphore_mem>>
      %dma_start3A_67 = arith.constant 0 : i32
      %dma_start3A_68 = tpu.memref_slice %arg1[%mul3A_64, %dma_start3A_67] : memref<12352x4096xf32, #tpu.memory_space<any>> -> memref<512x4096xf32, #tpu.memory_space<any>>
      %dma_start3A_69 = arith.constant 0 : i32
      %dma_start3A_70 = arith.constant 0 : i32
      %dma_start3A_71 = tpu.memref_slice %arg2[%rem3A_62, %dma_start3A_69, %dma_start3A_70] : memref<7x512x4096xf32, #tpu.memory_space<vmem>> -> memref<1x512x4096xf32, #tpu.memory_space<vmem>>
      %dma_start3A_72 = tpu.memref_squeeze %dma_start3A_71 : memref<1x512x4096xf32, #tpu.memory_space<vmem>> -> memref<512x4096xf32, #tpu.memory_space<vmem>>
      tpu.enqueue_dma source(%dma_start3A_72 : memref<512x4096xf32, #tpu.memory_space<vmem>>) target(%dma_start3A_68 : memref<512x4096xf32, #tpu.memory_space<any>>) target_semaphore(%dma_start3A_66 : memref<!tpu.dma_semaphore, #tpu.memory_space<semaphore_mem>>)
    }
    %scan3A_37 = arith.constant 24 : i32
    %scan3A_38 = arith.constant 20 : i32
    %scan3A_39 = arith.constant 4 : i32
    %scan3A_40 = arith.addi %scan3A_38, %scan3A_39 : i32
    %scan3A_41 = arith.constant 1 : i32
    scf.for %scan3A_43 = %scan3A_38 to %scan3A_40 step %scan3A_41  : i32 {
      %rem3A_44 = arith.constant 7 : i32
      %rem3A_45 = arith.remsi %scan3A_43, %rem3A_44 : i32
      %mul3A = arith.constant 512 : i32
      %mul3A_46 = arith.muli %scan3A_43, %mul3A : i32
      %dma_wait3A = tpu.memref_slice %arg4[%rem3A_45] : memref<7x!tpu.dma_semaphore, #tpu.memory_space<semaphore_mem>> -> memref<1x!tpu.dma_semaphore, #tpu.memory_space<semaphore_mem>>
      %dma_wait3A_47 = tpu.memref_squeeze %dma_wait3A : memref<1x!tpu.dma_semaphore, #tpu.memory_space<semaphore_mem>> -> memref<!tpu.dma_semaphore, #tpu.memory_space<semaphore_mem>>
      %dma_wait3A_48 = arith.constant 0 : i32
      %dma_wait3A_49 = tpu.memref_slice %arg1[%mul3A_46, %dma_wait3A_48] : memref<12352x4096xf32, #tpu.memory_space<any>> -> memref<512x4096xf32, #tpu.memory_space<any>>
      %dma_wait3A_50 = arith.constant 0 : i32
      %dma_wait3A_51 = arith.constant 0 : i32
      %dma_wait3A_52 = tpu.memref_slice %arg2[%rem3A_45, %dma_wait3A_50, %dma_wait3A_51] : memref<7x512x4096xf32, #tpu.memory_space<vmem>> -> memref<1x512x4096xf32, #tpu.memory_space<vmem>>
      %dma_wait3A_53 = tpu.memref_squeeze %dma_wait3A_52 : memref<1x512x4096xf32, #tpu.memory_space<vmem>> -> memref<512x4096xf32, #tpu.memory_space<vmem>>
      tpu.wait_dma2 semaphore(%dma_wait3A_47 : memref<!tpu.dma_semaphore, #tpu.memory_space<semaphore_mem>>) src(%dma_wait3A_53 : memref<512x4096xf32, #tpu.memory_space<vmem>>) dst(%dma_wait3A_49 : memref<512x4096xf32, #tpu.memory_space<any>>)
    }
    %scan3A_42 = arith.constant 4 : i32
    return
  }
}

module attributes {stable_mosaic.version = 14 : i64} {
  func.func @_tail_body(%arg0: memref<12352x4096xf32, #tpu.memory_space<any>>, %arg1: memref<64x4096xf32, #tpu.memory_space<any>>, %arg2: memref<12352x4096xf32, #tpu.memory_space<any>>, %arg3: memref<64x4096xf32, #tpu.memory_space<vmem>>, %arg4: memref<!tpu.dma_semaphore, #tpu.memory_space<semaphore_mem>>) attributes {dimension_semantics = [], scalar_prefetch = 0 : i64, scratch_operands = 2 : i64, tpu.core_type = #tpu.core_type<tc>} {
    tpu.enqueue_dma source(%arg1 : memref<64x4096xf32, #tpu.memory_space<any>>) target(%arg3 : memref<64x4096xf32, #tpu.memory_space<vmem>>) target_semaphore(%arg4 : memref<!tpu.dma_semaphore, #tpu.memory_space<semaphore_mem>>)
    tpu.wait_dma2 semaphore(%arg4 : memref<!tpu.dma_semaphore, #tpu.memory_space<semaphore_mem>>) src(%arg1 : memref<64x4096xf32, #tpu.memory_space<any>>) dst(%arg3 : memref<64x4096xf32, #tpu.memory_space<vmem>>)
    %dma_start3A = arith.constant 12288 : i32
    %dma_start3A_0 = arith.constant 0 : i32
    %dma_start3A_1 = tpu.memref_slice %arg2[%dma_start3A, %dma_start3A_0] : memref<12352x4096xf32, #tpu.memory_space<any>> -> memref<64x4096xf32, #tpu.memory_space<any>>
    tpu.enqueue_dma source(%arg3 : memref<64x4096xf32, #tpu.memory_space<vmem>>) target(%dma_start3A_1 : memref<64x4096xf32, #tpu.memory_space<any>>) target_semaphore(%arg4 : memref<!tpu.dma_semaphore, #tpu.memory_space<semaphore_mem>>)
    %dma_wait3A = arith.constant 12288 : i32
    %dma_wait3A_2 = arith.constant 0 : i32
    %dma_wait3A_3 = tpu.memref_slice %arg2[%dma_wait3A, %dma_wait3A_2] : memref<12352x4096xf32, #tpu.memory_space<any>> -> memref<64x4096xf32, #tpu.memory_space<any>>
    tpu.wait_dma2 semaphore(%arg4 : memref<!tpu.dma_semaphore, #tpu.memory_space<semaphore_mem>>) src(%arg3 : memref<64x4096xf32, #tpu.memory_space<vmem>>) dst(%dma_wait3A_3 : memref<64x4096xf32, #tpu.memory_space<any>>)
    return
  }
}

</mosaic_0001>

<sc_bundles>
// kernel: kernel.5.cloned.1.call-start
scs
__scs_entry_jumppad:
0x0: {  	(pc) =	sbr.rel $0x88, $3  }
0x1: {  	(tag) =	ssettag $0x0;
	lr =	simm.s32 $0x1  }
0x2: {  	[smem:$0x3F9E] =	sst lr;
	_ =	strace $0xD0000000  }
0x3: {  	_ = 	snop  }
0x4: {  	_ = 	snop  }
0x5: {  	_ = 	snop  }
0x6: {  	_ = 	snop  }
0x7: {  	_ = 	snop  }
__scs_overlays_trampoline_lowered:
0x8: {  	[smem:$0x3FAD] =	sst s0  }
0x9: {  	[smem:$0x3FAE] =	sst s1  }
0xa: {  	[smem:$0x3FAF] =	sst s2  }
0xb: {  	[smem:$0x3FB0] =	sst s3  }
0xc: {  	[smem:$0x3FB1] =	sst s4  }
0xd: {  	[smem:$0x3FB2] =	sst s5  }
0xe: {  	[smem:$0x3FB3] =	sst s6  }
0xf: {  	[smem:$0x3FB4] =	sst s7  }
0x10: {  	[smem:$0x3FB5] =	sst s8  }
0x11: {  	[smem:$0x3FB6] =	sst s9;
	s0 =	simm.s32 @!p0 $0x0  }
0x12: {  	s1 =	sld [smem:$0x3F9C];
	s0 =	simm.s32 @p0 $0x1  }
0x13: {  	[smem:$0x3FB7] =	sst s0;
	s0 =	simm.s32 @!p1 $0x0  }
0x14: {  	s2 =	sld [smem:$0x3F9B];
	s0 =	simm.s32 @p1 $0x1  }
0x15: {  	[smem:$0x3FB8] =	sst s0;
	s0 =	simm.s32 @!p2 $0x0  }
0x16: {  	s3 =	sld [smem:$0x3FDB];
	s0 =	simm.s32 @p2 $0x1  }
0x17: {  	s4 =	simm.s32 $0x1BF5;
	[smem:$0x3FBA] =	sst s0  }
0x18: {  	s0 =	sld [smem:$0x3F9D];
	_ =	swait.ge [sflag:s4], $0x0  }
0x19: {  	s7 =	sld [smem:$0x3F9E]  }
0x1a: {  	s8 =	sadd.s32 $0xFFFFE003, lr  }
0x1b: {  	s9 =	sadd.s32 $0xFFFFFEF7, lr;
	s5 =	simm.s32 $0xFFFFFFFF;
	p2 =	slt.u32 s8, $0xFFFFF086  }
0x1c: {  	p1 =	slt.u32 s9, $0xF7A;
	s5 =	simm.s32 @!p2 $0x0  }
0x1d: {  	s5 =	simm.s32 @p1 $0x1;
	p0 =	seq.s32 s7, s2  }
0x1e: {  	s7 =	smul.u32 @!p0 $0xF7A, s2;
	p2 =	seq.s32 @!p0 s5, $0x0  }
0x1f: {  	s9 =	smul.u32 $0xF7A, s1;
	s8 =	simm.s32 @!p0 $0x1BF5;
	p2 =	por !p2, p0  }
0x20: {  	[sflag:s8] =	ssyncset.s32 @!p0 $0xFFFFF086;
	s6 =	sadd.s32 @!p0 s3, s7;
	s7 =	simm.s32 @!p0 $0x108  }
0x21: {  	s3 =	sadd.s32 s3, s9;
	s6 =	sadd.s32 @!p0 $0x88, s6;
	s7 =	simm.s32 @p2 $0x1082  }
0x22: {  	[simem:s7], [sflag:s8] =	dma.local @!p0 [hbm:s6], $0xF7A  }
0x23: {  	s9 =	sor.u32 $0xD0000000, s2;
	s6 =	simm.s32 $0x108;
	_ =	swait.ge @!p0 [sflag:s8], $0x0  }
0x24: {  	s3 =	sadd.s32 $0x88, s3;
	s6 =	simm.s32 @!p1 $0x1082;
	[sflag:s4] =	ssyncset.s32 $0xFFFFF086  }
0x25: {  	[simem:s6], [sflag:s4] =	dma.local [hbm:s3], $0xF7A  }
0x26: {  	[smem:$0x3F9E] =	sst s1;
	(tag) =	ssettag s2;
	_ =	strace s9  }
0x27: {  	s1 =	sld [smem:$0x3FAE]  }
0x28: {  	s2 =	sld [smem:$0x3FAF]  }
0x29: {  	s4 =	sld [smem:$0x3FB1]  }
0x2a: {  	p0 =	seq.s32 s5, $0x0;
	s5 =	sld [smem:$0x3FB2]  }
0x2b: {  	s6 =	sld [smem:$0x3FB3]  }
0x2c: {  	s7 =	sld [smem:$0x3FB4]  }
0x2d: {  	s3 =	simm.s32 $0x108;
	s8 =	sld [smem:$0x3FB5]  }
0x2e: {  	s3 =	simm.s32 @!p0 $0x1082;
	s9 =	sld [smem:$0x3FB6]  }
0x2f: {  	lr =	sadd.s32 s0, s3;
	s0 =	sld [smem:$0x3FAD]  }
0x30: {  	s3 =	sld [smem:$0x3FB0]  }
0x31: {  	[smem:$0x3FB9] =	sst s10  }
0x32: {  	s10 =	sld [smem:$0x3FB7];
	_ =	sdelay $0x3  }
0x33: {  	p0 =	seq.s32 s10, $0x1;
	s10 =	sld [smem:$0x3FB9];
	_ =	sdelay $0x3  }
0x34: {  	[smem:$0x3FB9] =	sst s10  }
0x35: {  	s10 =	sld [smem:$0x3FB8];
	_ =	sdelay $0x3  }
0x36: {  	p1 =	seq.s32 s10, $0x1;
	s10 =	sld [smem:$0x3FB9];
	_ =	sdelay $0x3  }
0x37: {  	[smem:$0x3FB9] =	sst s10  }
0x38: {  	s10 =	sld [smem:$0x3FBA]  }
0x39: {  	_ = 	snop;
	(pc) =	sbr.ind lr, $3  }
0x3a: {  	_ = 	snop  }
0x3b: {  	_ = 	snop  }
0x3c: {  	p2 =	seq.s32 s10, $0x1;
	s10 =	sld [smem:$0x3FB9]  }
0x3d: {  	_ =	shalt  }
0x3e: {  	_ =	shalt  }
0x3f: {  	_ =	shalt  }
0x40: {  	_ =	shalt  }
0x41: {  	_ =	shalt  }
0x42: {  	_ =	shalt  }
0x43: {  	_ =	shalt  }
0x44: {  	_ =	shalt  }
0x45: {  	_ =	shalt  }
0x46: {  	_ =	shalt  }
0x47: {  	_ =	shalt  }
0x48: {  	_ =	shalt  }
0x49: {  	_ =	shalt  }
0x4a: {  	_ =	shalt  }
0x4b: {  	_ =	shalt  }
0x4c: {  	_ =	shalt  }
0x4d: {  	_ =	shalt  }
0x4e: {  	_ =	shalt  }
0x4f: {  	_ =	shalt  }
0x50: {  	_ =	shalt  }
0x51: {  	_ =	shalt  }
0x52: {  	_ =	shalt  }
0x53: {  	_ =	shalt  }
0x54: {  	_ =	shalt  }
0x55: {  	_ =	shalt  }
0x56: {  	_ =	shalt  }
0x57: {  	_ =	shalt  }
0x58: {  	_ =	shalt  }
0x59: {  	_ =	shalt  }
0x5a: {  	_ =	shalt  }
0x5b: {  	_ =	shalt  }
0x5c: {  	_ =	shalt  }
0x5d: {  	_ =	shalt  }
0x5e: {  	_ =	shalt  }
0x5f: {  	_ =	shalt  }
0x60: {  	_ =	shalt  }
0x61: {  	_ =	shalt  }
0x62: {  	_ =	shalt  }
0x63: {  	_ =	shalt  }
0x64: {  	_ =	shalt  }
0x65: {  	_ =	shalt  }
0x66: {  	_ =	shalt  }
0x67: {  	_ =	shalt  }
0x68: {  	_ =	shalt  }
0x69: {  	_ =	shalt  }
0x6a: {  	_ =	shalt  }
0x6b: {  	_ =	shalt  }
0x6c: {  	_ =	shalt  }
0x6d: {  	_ =	shalt  }
0x6e: {  	_ =	shalt  }
0x6f: {  	_ =	shalt  }
0x70: {  	_ =	shalt  }
0x71: {  	_ =	shalt  }
0x72: {  	_ =	shalt  }
0x73: {  	_ =	shalt  }
0x74: {  	_ =	shalt  }
0x75: {  	_ =	shalt  }
0x76: {  	_ =	shalt  }
0x77: {  	_ =	shalt  }
0x78: {  	_ =	shalt  }
0x79: {  	_ =	shalt  }
0x7a: {  	_ =	shalt  }
0x7b: {  	_ =	shalt  }
0x7c: {  	_ =	shalt  }
0x7d: {  	_ =	shalt  }
0x7e: {  	_ =	shalt  }
0x7f: {  	_ =	shalt  }
0x80: {  	_ =	shalt  }
0x81: {  	_ =	shalt  }
0x82: {  	_ =	shalt  }
0x83: {  	_ =	shalt  }
0x84: {  	_ =	shalt  }
0x85: {  	_ =	shalt  }
0x86: {  	_ =	shalt  }
0x87: {  	_ =	shalt  }
.Lfunc_end0:
.L_simem_size_0:
called_computation_lowered:
.L_overlay_start_0:
0x88: {  	s2 =	sld [smem:$0x3FD9]  }
0x89: {  	s3 =	sld [smem:$0x3FFE];
	_ =	sdelay $0x1  }
0x8a: {  	s1 =	srdreg.scid  }
0x8b: {  	s0 =	sand.u32 $0x1, s1  }
0x8c: {  	s17 =	sshll.u32 s0, $0xA;
	s2 =	sadd.s32 s3, s2  }
0x8d: {  	s2 =	sadd.s32 s2, s17  }
0x8e: {  	[smem:$0x3FC5] =	sst s2  }
0x8f: {  	_ = 	snop  }
0x90: {  	s2 =	sld [smem:$0x3FC8];
	(tm) =	ssettm $0x1  }
0x91: {  	s18 =	sld [smem:$0x3FFB];
	_ =	sdelay $0x3  }
0x92: {  	_ =	strace s18  }
0x93: {  	s3 =	sld [smem:$0x3FFC];
	_ =	sdelay $0x3  }
0x94: {  	_ =	strace s3  }
0x95: {  	s3 =	sld [smem:$0x3FFD];
	_ =	sdelay $0x3  }
0x96: {  	_ =	strace s3  }
0x97: {  	_ =	strace $0x8FFFFFFF  }
0x98: {  	s19 =	sld [smem:$0x3FDB];
	_ =	sdelay $0x1  }
0x99: {  	s4 =	simm.s32 $_scs_section_size  }
0x9a: {  	s5 =	simm.s32 $_size__tile_overlayer_lowered;
	s6 =	simm.s32 $_tile_overlayer_lowered  }
0x9b: {  	s22 =	simm.s32 $0x1BFF;
	s21 =	sshll.u32 s6, $0x1;
	s3 =	sadd.s32 s4, s19  }
0x9c: {  	s7 =	simm.s32 $0x0;
	s20 =	sshll.u32 s5, $0x1;
	s5 =	sadd.s32 s21, s3  }
0x9d: {  	[timem:s7], [sflag:s22] =	dma.local [hbm:s5], s20  }
0x9e: {  	_ =	swait.ge [sflag:s22], s20  }
0x9f: {  	s4 =	ssub.s32 $0x0, s20;
	[sflag:s22] =	ssyncset.done $0x0  }
0xa0: {  	[sflag:s22] =	ssyncadd.s32 s4;
	_ =	sdelay $0x1  }
0xa1: {  	s23 =	simm.s32 $0x1B8B  }
0xa2: {  	_ =	swait.ge [sflag:s23], $0x1  }
0xa3: {  	[sflag:s23] =	ssyncset.done $0x0  }
0xa4: {  	s25 =	simm.s32 $0x1B8E;
	s24 =	sld [smem:$0x3FFE];
	[sflag:s23] =	ssyncadd.s32 $0xFFFFFFFF  }
0xa5: {  	s26 =	simm.s32 $execute0_lowered;
	[smem:$0x3FD2] =	sst s25  }
0xa6: {  	s5 =	sshll.u32 s26, $0x1;
	_ =	strace $0x80000046;
	[dreg:$0x1] =	wrdreg $0xFFFFFFFF  }
0xa7: {  	s28 =	simm.s32 $_size_execute0_lowered;
	s3 =	sadd.s32 s3, s5;
	[dreg:$0x0] =	wrdreg $0x0  }
0xa8: {  	s5 =	sshll.u32 s28, $0x1;
	[dreg:$0x2] =	wrdreg s3  }
0xa9: {  	[dreg:$0x3] =	wrdreg s5  }
0xaa: {  	[dreg:$0x4] =	wrdreg $0xC0  }
0xab: {  	_ =	task [dreg:s7], $0x5FFFF  }
0xac: {  	[dreg:$0x1] =	wrdreg $0xFFFFFFFF  }
0xad: {  	[dreg:$0x0] =	wrdreg $0x60  }
0xae: {  	[dreg:$0x2] =	wrdreg s2  }
0xaf: {  	[dreg:$0x3] =	wrdreg s24  }
0xb0: {  	[dreg:$0x4] =	wrdreg $0x9  }
0xb1: {  	_ =	task.clear_ibuf [dreg:s7], $0x5FFFF;
	_ =	strace $0x90000046  }
0xb2: {  	s29 =	simm.s32 $0x9;
	_ =	strace $0x80000048  }
0xb3: {  	_ =	swait.ge [sflag:s29], $0x1  }
0xb4: {  	[sflag:s29] =	ssyncadd.s32 $0xFFFFFFFF  }
0xb5: {  	_ =	strace $0x90000048  }
0xb6: {  	_ =	sfence  }
0xb7: {  	s30 =	sld [smem:$0x0];
	_ =	sdelay $0x2  }
0xb8: {  	s31 =	sshll.u32 s1, $0xD;
	s1 =	sshrl.u32 s1, $0x2  }
0xb9: {  	s3 =	sand.u32 $0x4000, s31;
	s1 =	sadd.s32 s1, s30  }
0xba: {  	s0 =	sor.u32 s3, s0;
	s1 =	sshll.u32 s1, $0x11  }
0xbb: {  	s0 =	sor.u32 s1, s0  }
0xbc: {  	s0 =	sadd.s32 $0x8F2B, s0  }
0xbd: {  	[sflag:s0] =	ssyncadd.remote.s32 $0x1  }
0xbe: {  	_ =	sfence.sel $0xFFFF  }
0xbf: {  	[dreg:$0x0] =	wrdreg $0xFFFFFFFF;
	(pc) =	sbr.abs _section_cstart, $3  }
0xc0: {  	[dreg:$0x1] =	wrdreg $0xFFFFFFFF  }
0xc1: {  	_ =	task.clear_ibuf [dreg:s7], $0x2FFFF;
	_ =	strace $0x9FFFFFFF  }
0xc2: {  	(tm) =	ssettm $0x7FFFFFFF  }
0xc3: {  	_ =	shalt  }
tec
execute0_lowered:
.L_overlay_start_1:
0x0: {  	(tag) =	ssettag $0x1  }
0x1: {  	s1 =	srdreg.scid  }
0x2: {  	s3 =	rddreg [dreg:$0x0];
	s0 =	stileid.u32  }
0x3: {  	s8 =	rddreg [dreg:$0x1];
	s2 =	simm.s32 $0x0;
	s6 =	sand.u32 $0x1, s1  }
0x4: {  	s4 =	sshll.u32 s0, $0x8;
	s1 =	rddreg [dreg:$0x2];
	s5 =	sshll.u32 s6, $0x7  }
0x5: {  	s7 =	simm.s32 $0x1;
	[smem:$0x7FF] =	sst s2;
	s9 =	sor.u32 s5, s4  }
0x6: {  	_ =	strace $0x80000047;
	s10 =	ssub.s32 $0x2, s6;
	s4 =	sshrl.u32 s9, $0x3  }
0x7: {  	s6 =	simm.s32 $0x80;
	s4 =	sadd.s32 s3, s4;
	s3 =	simm.s32 $0x2  }
0x8: {  	[tilespmem:s2], [sflag:$0x2] =	stream.linear.gather [hbm4b:s4+s2], $0x80, $0x38;
	[tilespmem:$0x2080] =	vst v63  }
0x9: {  	s5 =	sadd.s32 $0x400, s8;
	s11 =	sshrl.u32 s10, $0x1;
	_ =	swait.ge [sflag:s3], $0x80  }
0xa: {  	s9 =	sshll.u32 s9, $0x3;
	s31 =	ssub.s32 s10, s11;
	[sflag:s3] =	ssyncset.done $0x0  }
0xb: {  	s8 =	sadd.s32 s9, s8;
	s9 =	smax.u32 s31, $0x1;
	[sflag:s3] =	ssyncadd.s32 $0xFFFFFF80  }
0xc: {  	[tilespmem:s6], [sflag:$0x1] =	stream.indirect.gather [hbm4b:s5+s6], $0x40, s2, s6, $0xb8;
	[tilespmem:$0x2080] =	vst v63  }
0xd: {  	p0 =	sne.s32 s9, $0x1;
	_ =	swait.ge [sflag:s7], $0x2000  }
.Ltmp0:
0xe: {  	[sflag:s7] =	ssyncset.done $0x0;
	(pc) =	sbr.rel @!p0 .LBB2_2-.Ltmp0, $4  }
0xf: {  	s8 =	sadd.s32 $0xC3A00, s8;
	[sflag:s7] =	ssyncadd.s32 $0xFFFFE000  }
0x10: {  	[hbm4b:s8+s2] =	stream.linear.scatter [tilespmem:s6], [sflag:$0x2], $0x2000, $0x38;
	[tilespmem:$0x2080] =	vst v63  }
0x11: {  	_ =	swait.ge [sflag:s3], $0x2000  }
0x12: {  	s9 =	sadd.s32 $0xFFFFFFFF, s9;
	[sflag:s3] =	ssyncset.done $0x0  }
.LBB2_1:
0x13: {  	p0 =	sne.s32 s9, $0x1;
	s9 =	sadd.s32 $0xFFFFFFFF, s9;
	[sflag:s3] =	ssyncadd.s32 $0xFFFFE000  }
0x14: {  	[tilespmem:s2], [sflag:$0x2] =	stream.linear.gather [hbm4b:s4+s2], $0x80, $0x38;
	[tilespmem:$0x2080] =	vst v63  }
0x15: {  	_ =	swait.ge [sflag:s3], $0x80  }
0x16: {  	[sflag:s3] =	ssyncset.done $0x0  }
0x17: {  	[sflag:s3] =	ssyncadd.s32 $0xFFFFFF80  }
0x18: {  	[tilespmem:s6], [sflag:$0x1] =	stream.indirect.gather [hbm4b:s5+s6], $0x40, s2, s6, $0xb8;
	[tilespmem:$0x2080] =	vst v63  }
0x19: {  	_ =	swait.ge [sflag:s7], $0x2000  }
.Ltmp1:
0x1a: {  	[sflag:s7] =	ssyncset.done $0x0;
	(pc) =	sbr.rel @p0 .LBB2_1-.Ltmp1, $4  }
0x1b: {  	[sflag:s7] =	ssyncadd.s32 $0xFFFFE000  }
0x1c: {  	[hbm4b:s8+s2] =	stream.linear.scatter [tilespmem:s6], [sflag:$0x2], $0x2000, $0x38;
	[tilespmem:$0x2080] =	vst v63  }
0x1d: {  	_ =	swait.ge [sflag:s3], $0x2000  }
0x1e: {  	[sflag:s3] =	ssyncset.done $0x0  }
.LBB2_2:
0x1f: {  	[sflag:s3] =	ssyncadd.s32 $0xFFFFE000  }
0x20: {  	_ =	sfence.sel $0x180000  }
0x21: {  	[bflag:$0x0] =	sbarrier.arrive $0xFFFF  }
0x22: {  	p0 =	sne.s32 s0, $0x0;
	_ =	strace $0x90000047  }
0x23: {  	s0 =	sadd.s32 @!p0 $0x100000, s1;
	[bflag:$0x2] =	sbarrier.arrive $0xFFFF  }
0x24: {  	[sflag:s0] =	ssyncadd.tile.s32 @!p0 $0x1;
	_ =	shalt  }
.Lfunc_end2:
_tile_overlayer_lowered:
.L_overlay_start_2:
0x25: {  	(tag) =	ssettag $0x2  }
0x26: {  	s0 =	rddreg [dreg:$0x0];
	s2 =	stileid.u32  }
0x27: {  	s1 =	rddreg [dreg:$0x1];
	p0 =	sne.s32 s2, $0x0  }
0x28: {  	s3 =	rddreg [dreg:$0x2];
	[bflag:$0x3] =	sbarrier.arrive $0xFFFF;
	s2 =	simm.s32 @!p0 $0x1C02  }
0x29: {  	[timem:s3], [sflag:s2] =	dma.local @!p0 [hbm:s0], s1  }
0x2a: {  	s0 =	simm.s32 @!p0 $0x2  }
0x2b: {  	_ =	swait.ge @!p0 [sflag:s0], s1  }
0x2c: {  	s1 =	ssub.s32 @!p0 $0x0, s1;
	[sflag:s0] =	ssyncset.done @!p0 $0x0  }
0x2d: {  	[sflag:s0] =	ssyncadd.s32 @!p0 s1  }
0x2e: {  	[bflag:$0x3] =	sbarrier.arrive $0xFFFF  }
0x2f: {  	_ =	shalt  }

</sc_bundles>
